<compile_context>
chip_gen: v7x
topology: tpu7x:2x2x1
jax: 0.10.2.dev20260603
libtpu: 0.0.44.dev20260713+nightly
codegen_flags: <defaults>
</compile_context>

<pallas_src>
import functools

import jax
import jax.numpy as jnp
from jax import lax
from jax.experimental import pallas as pl
from jax.experimental.pallas import tpu as pltpu
from jax.experimental.pallas import tpu_sc as plsc

F_BLK = 1024


def _logits_body(x_ref, w_ref, b_ref, h_ref):
    bi = pl.program_id(0)
    fi = pl.program_id(1)
    xb = x_ref[0]
    s = (jnp.sum(xb, axis=-1) * (1.0 / 2048.0) + jnp.max(xb, axis=-1))[None, :]
    hp = jax.lax.dot_general(
        s, w_ref[...], (((1,), (1,)), ((), ())),
        preferred_element_type=jnp.float32,
    )

    @pl.when(fi == 0)
    def _init():
        h_ref[pl.ds(bi, 1), :] = hp + b_ref[...][None, :]

    @pl.when(fi > 0)
    def _accum():
        h_ref[pl.ds(bi, 1), :] = h_ref[pl.ds(bi, 1), :] + hp


def _routing_body(h_hbm, gate_hbm, mask_hbm, hv, gv, mv):
    cid = lax.axis_index("c")
    sid = lax.axis_index("s")

    @pl.when((cid == 0) & (sid < 4))
    def _route():
        pltpu.sync_copy(h_hbm.at[sid], hv)
        v = hv[...]
        v = jnp.where(v >= 0.0, v, 0.2 * v)
        iota = lax.broadcasted_iota(jnp.int32, (16,), 0)
        m1 = jnp.max(v)
        i1 = jnp.min(jnp.where(v == m1, iota, 16))
        v2 = jnp.where(iota == i1, -jnp.inf, v)
        m2 = jnp.max(v2)
        i2 = jnp.min(jnp.where(v2 == m2, iota, 16))
        sel = (iota == i1) | (iota == i2)
        mv[...] = jnp.where(sel, 1.0, 0.0)
        d = jnp.where(sel, jnp.exp(v - m1), 0.0)
        denom = jnp.zeros((16,), jnp.float32) + jnp.sum(d)
        gv[...] = d / denom
        pltpu.sync_copy(gv, gate_hbm.at[sid])
        pltpu.sync_copy(mv, mask_hbm.at[sid])


def kernel(x, W, b):
    B, F, C = x.shape
    E = W.shape[0]

    h = pl.pallas_call(
        _logits_body,
        grid=(B, F // F_BLK),
        in_specs=[
            pl.BlockSpec((1, F_BLK, C), lambda bi, fi: (bi, fi, 0)),
            pl.BlockSpec((E, F_BLK), lambda bi, fi: (0, fi)),
            pl.BlockSpec((E,), lambda bi, fi: (0,)),
        ],
        out_specs=pl.BlockSpec((B, E), lambda bi, fi: (0, 0)),
        out_shape=jax.ShapeDtypeStruct((B, E), jnp.float32),
    )(x, W, b)

    routing = functools.partial(
        pl.kernel,
        mesh=plsc.VectorSubcoreMesh(core_axis_name="c", subcore_axis_name="s"),
        out_type=[
            jax.ShapeDtypeStruct((B, E), jnp.float32),
            jax.ShapeDtypeStruct((B, E), jnp.float32),
        ],
        scratch_types=[
            pltpu.VMEM((E,), jnp.float32),
            pltpu.VMEM((E,), jnp.float32),
            pltpu.VMEM((E,), jnp.float32),
        ],
        compiler_params=pltpu.CompilerParams(needs_layout_passes=False),
    )(_routing_body)
    gating, mask = routing(h)
    return gating, mask

# --- scband reference (transcript-rebuilt; emitter-appended) ---
"""Pipeline reference for scband-gate-network-1623497638568 (READ-ONLY COPY).

The authoritative reference and input builder live on the scoring server;
editing this copy changes nothing except your own understanding.
"""

import jax, jax.numpy as jnp
import numpy as np


def setup_inputs(seed: int = 0) -> dict:
    key = jax.random.key(seed)
    k1, k2, k3 = jax.random.split(key, 3)
    x = jax.random.normal(k1, (4, 2048, 2048), dtype=jnp.float32)
    # fc1: Linear(input_size=2048 -> num_experts=16). Torch zero-inits the weight,
    # which makes topk degenerate; use small random weights for a meaningful reference.
    W = jax.random.normal(k2, (16, 2048), dtype=jnp.float32) * 0.02
    b = jax.random.normal(k3, (16,), dtype=jnp.float32) * 0.02
    return {"x": x, "W": W, "b": b}


def reference(x, W, b):
    top_k = 2
    # x = x.mean(dim=-1) + x.max(dim=-1).values
    s = jnp.mean(x, axis=-1) + jnp.max(x, axis=-1)
    # fc1
    h = s @ W.T + b
    # LeakyReLU(0.2)
    h = jnp.where(h >= 0, h, 0.2 * h)
    # topk over experts (dim=1)
    topk_values, topk_indices = jax.lax.top_k(h, top_k)
    B = h.shape[0]
    # mask = zeros.scatter_(dim=1, index=topk_indices, value=1.0)
    mask = jnp.zeros_like(h).at[jnp.arange(B)[:, None], topk_indices].set(1.0)
    # x[~mask.bool()] = -inf
    hm = jnp.where(mask.astype(bool), h, -jnp.inf)
    gating_coeffs = jax.nn.softmax(hm, axis=1)
    return (gating_coeffs, mask)

if __name__ == "__main__":
    import jax
    _d = setup_inputs()
    print(jax.jit(kernel)(*tuple(_d.values())))

</pallas_src>

<mosaic_0001>
#map = affine_map<(d0, d1) -> (0, 0)>
module attributes {stable_mosaic.version = 14 : i64} {
  func.func @_routing_body(%arg0: i32, %arg1: i32, %arg2: memref<4x16xf32, #tpu.memory_space<hbm>>, %arg3: memref<4x16xf32, #tpu.memory_space<hbm>>, %arg4: memref<4x16xf32, #tpu.memory_space<hbm>>, %arg5: memref<16xf32, #tpu.memory_space<vmem>>, %arg6: memref<16xf32, #tpu.memory_space<vmem>>, %arg7: memref<16xf32, #tpu.memory_space<vmem>>) attributes {dimension_semantics = [#tpu.dimension_semantics<core_parallel>, #tpu.dimension_semantics<subcore_parallel>], iteration_bounds = array<i64: 2, 16>, scalar_prefetch = 0 : i64, scratch_operands = 3 : i64, tpu.core_type = #tpu.core_type<sc_vector_subcore>, window_params = [{transform_indices = #map}, {transform_indices = #map}, {transform_indices = #map}]} {
    %eq3A = arith.constant 0 : i32
    %eq3A_0 = arith.cmpi eq, %arg0, %eq3A : i32
    %lt3A = arith.constant 4 : i32
    %lt3A_1 = arith.cmpi slt, %arg1, %lt3A : i32
    %and3A = arith.andi %eq3A_0, %lt3A_1 : i1
    %convert_element_type3A = arith.extui %and3A : i1 to i32
    %cond3A = arith.constant 0 : i32
    %cond3A_2 = arith.cmpi ne, %convert_element_type3A, %cond3A : i32
    scf.if %cond3A_2 {
      "tpu.region"() ({
        %run_scoped3A = tpu.sem_alloc : memref<!tpu.dma_semaphore, #tpu.memory_space<semaphore_mem>>
        %dma_start3A = arith.constant 0 : i32
        %dma_start3A_65 = tpu.memref_slice %arg2[%arg1, %dma_start3A] : memref<4x16xf32, #tpu.memory_space<hbm>> -> memref<1x16xf32, #tpu.memory_space<hbm>>
        %dma_start3A_66 = tpu.memref_squeeze %dma_start3A_65 : memref<1x16xf32, #tpu.memory_space<hbm>> -> memref<16xf32, #tpu.memory_space<hbm>>
        %dma_start3A_67 = arith.constant 0 : i32
        %dma_start3A_68 = tpu.memref_slice %arg2[%arg1, %dma_start3A_67] : memref<4x16xf32, #tpu.memory_space<hbm>> -> memref<1x16xf32, #tpu.memory_space<hbm>>
        %dma_start3A_69 = tpu.memref_squeeze %dma_start3A_68 : memref<1x16xf32, #tpu.memory_space<hbm>> -> memref<16xf32, #tpu.memory_space<hbm>>
        tpu.enqueue_dma source(%dma_start3A_69 : memref<16xf32, #tpu.memory_space<hbm>>) target(%arg5 : memref<16xf32, #tpu.memory_space<vmem>>) target_semaphore(%run_scoped3A : memref<!tpu.dma_semaphore, #tpu.memory_space<semaphore_mem>>)
        %dma_wait3A = arith.constant 0 : i32
        %dma_wait3A_70 = tpu.memref_slice %arg2[%arg1, %dma_wait3A] : memref<4x16xf32, #tpu.memory_space<hbm>> -> memref<1x16xf32, #tpu.memory_space<hbm>>
        %dma_wait3A_71 = tpu.memref_squeeze %dma_wait3A_70 : memref<1x16xf32, #tpu.memory_space<hbm>> -> memref<16xf32, #tpu.memory_space<hbm>>
        %dma_wait3A_72 = arith.constant 0 : i32
        %dma_wait3A_73 = tpu.memref_slice %arg2[%arg1, %dma_wait3A_72] : memref<4x16xf32, #tpu.memory_space<hbm>> -> memref<1x16xf32, #tpu.memory_space<hbm>>
        %dma_wait3A_74 = tpu.memref_squeeze %dma_wait3A_73 : memref<1x16xf32, #tpu.memory_space<hbm>> -> memref<16xf32, #tpu.memory_space<hbm>>
        tpu.wait_dma2 semaphore(%run_scoped3A : memref<!tpu.dma_semaphore, #tpu.memory_space<semaphore_mem>>) src(%dma_wait3A_74 : memref<16xf32, #tpu.memory_space<hbm>>) dst(%arg5 : memref<16xf32, #tpu.memory_space<vmem>>)
        tpu.yield
      }) : () -> ()
      %get3A = arith.constant 0 : index
      %get3A_3 = tpu.vector_load %arg5[%get3A] {strides = array<i32>} : memref<16xf32, #tpu.memory_space<vmem>>, vector<16xf32>,
      %ge3A = arith.constant 0.000000e+00 : f32
      %ge3A_4 = vector.broadcast %ge3A : f32 to vector<16xf32>
      %ge3A_5 = arith.cmpf oge, %get3A_3, %ge3A_4 : vector<16xf32>
      %mul3A = arith.constant 2.000000e-01 : f32
      %mul3A_6 = vector.broadcast %mul3A : f32 to vector<16xf32>
      %mul3A_7 = arith.mulf %mul3A_6, %get3A_3 : vector<16xf32>
      %select_n3A = arith.select %ge3A_5, %get3A_3, %mul3A_7 : vector<16xi1>, vector<16xf32>
      %iota3A = tpu.iota {dimensions = array<i32: 0>} : vector<16xi32>
      %reduce_max3A = arith.constant true
      %reduce_max3A_8 = vector.broadcast %reduce_max3A : i1 to vector<16xi1>
      %reduce_max3A_9 = tpu.scan <max>, %select_n3A masked %reduce_max3A_8 : vector<16xf32>, vector<16xi1> -> vector<16xf32>
      %reduce_max3A_10 = vector.extract %reduce_max3A_9[15] : f32 from vector<16xf32>
      %eq3A_11 = vector.broadcast %reduce_max3A_10 : f32 to vector<16xf32>
      %eq3A_12 = arith.cmpf oeq, %select_n3A, %eq3A_11 : vector<16xf32>
      %jit3A = arith.constant 16 : i32
      %broadcast_in_dim3A = vector.broadcast %jit3A : i32 to vector<16xi32>
      %select_n3A_13 = arith.select %eq3A_12, %iota3A, %broadcast_in_dim3A : vector<16xi1>, vector<16xi32>
      %reduce_min3A = arith.constant true
      %reduce_min3A_14 = vector.broadcast %reduce_min3A : i1 to vector<16xi1>
      %reduce_min3A_15 = arith.constant -2147483648 : i32
      %reduce_min3A_16 = vector.broadcast %reduce_min3A_15 : i32 to vector<16xi32>
      %reduce_min3A_17 = arith.xori %select_n3A_13, %reduce_min3A_16 : vector<16xi32>
      %reduce_min3A_18 = tpu.scan <min>, %reduce_min3A_17 masked %reduce_min3A_14 : vector<16xi32>, vector<16xi1> -> vector<16xi32>
      %reduce_min3A_19 = arith.xori %reduce_min3A_18, %reduce_min3A_16 : vector<16xi32>
      %reduce_min3A_20 = vector.extract %reduce_min3A_19[15] : i32 from vector<16xi32>
      %eq3A_21 = vector.broadcast %reduce_min3A_20 : i32 to vector<16xi32>
      %eq3A_22 = arith.cmpi eq, %iota3A, %eq3A_21 : vector<16xi32>
      %jit3A_23 = arith.constant 0xFF800000 : f32
      %broadcast_in_dim3A_24 = vector.broadcast %jit3A_23 : f32 to vector<16xf32>
      %select_n3A_25 = arith.select %eq3A_22, %broadcast_in_dim3A_24, %select_n3A : vector<16xi1>, vector<16xf32>
      %reduce_max3A_26 = arith.constant true
      %reduce_max3A_27 = vector.broadcast %reduce_max3A_26 : i1 to vector<16xi1>
      %reduce_max3A_28 = tpu.scan <max>, %select_n3A_25 masked %reduce_max3A_27 : vector<16xf32>, vector<16xi1> -> vector<16xf32>
      %reduce_max3A_29 = vector.extract %reduce_max3A_28[15] : f32 from vector<16xf32>
      %eq3A_30 = vector.broadcast %reduce_max3A_29 : f32 to vector<16xf32>
      %eq3A_31 = arith.cmpf oeq, %select_n3A_25, %eq3A_30 : vector<16xf32>
      %jit3A_32 = arith.constant 16 : i32
      %broadcast_in_dim3A_33 = vector.broadcast %jit3A_32 : i32 to vector<16xi32>
      %select_n3A_34 = arith.select %eq3A_31, %iota3A, %broadcast_in_dim3A_33 : vector<16xi1>, vector<16xi32>
      %reduce_min3A_35 = arith.constant true
      %reduce_min3A_36 = vector.broadcast %reduce_min3A_35 : i1 to vector<16xi1>
      %reduce_min3A_37 = arith.constant -2147483648 : i32
      %reduce_min3A_38 = vector.broadcast %reduce_min3A_37 : i32 to vector<16xi32>
      %reduce_min3A_39 = arith.xori %select_n3A_34, %reduce_min3A_38 : vector<16xi32>
      %reduce_min3A_40 = tpu.scan <min>, %reduce_min3A_39 masked %reduce_min3A_36 : vector<16xi32>, vector<16xi1> -> vector<16xi32>
      %reduce_min3A_41 = arith.xori %reduce_min3A_40, %reduce_min3A_38 : vector<16xi32>
      %reduce_min3A_42 = vector.extract %reduce_min3A_41[15] : i32 from vector<16xi32>
      %eq3A_43 = vector.broadcast %reduce_min3A_20 : i32 to vector<16xi32>
      %eq3A_44 = arith.cmpi eq, %iota3A, %eq3A_43 : vector<16xi32>
      %eq3A_45 = vector.broadcast %reduce_min3A_42 : i32 to vector<16xi32>
      %eq3A_46 = arith.cmpi eq, %iota3A, %eq3A_45 : vector<16xi32>
      %or3A = arith.ori %eq3A_44, %eq3A_46 : vector<16xi1>
      %jit3A_47 = arith.constant 1.000000e+00 : f32
      %jit3A_48 = arith.constant 0.000000e+00 : f32
      %broadcast_in_dim3A_49 = vector.broadcast %jit3A_47 : f32 to vector<16xf32>
      %broadcast_in_dim3A_50 = vector.broadcast %jit3A_48 : f32 to vector<16xf32>
      %select_n3A_51 = arith.select %or3A, %broadcast_in_dim3A_49, %broadcast_in_dim3A_50 : vector<16xi1>, vector<16xf32>
      %swap3A = arith.constant 0 : index
      %swap3A_52 = tpu.vector_load %arg7[%swap3A] {strides = array<i32>} : memref<16xf32, #tpu.memory_space<vmem>>, vector<16xf32>,
      tpu.vector_store %arg7[%swap3A], %select_n3A_51 {strides = array<i32>} : memref<16xf32, #tpu.memory_space<vmem>>, vector<16xf32>,
      %sub3A = vector.broadcast %reduce_max3A_10 : f32 to vector<16xf32>
      %sub3A_53 = arith.subf %select_n3A, %sub3A : vector<16xf32>
      %exp3A = math.exp %sub3A_53 : vector<16xf32>
      %jit3A_54 = arith.constant 0.000000e+00 : f32
      %broadcast_in_dim3A_55 = vector.broadcast %jit3A_54 : f32 to vector<16xf32>
      %select_n3A_56 = arith.select %or3A, %exp3A, %broadcast_in_dim3A_55 : vector<16xi1>, vector<16xf32>
      %broadcast_in_dim3A_57 = arith.constant 0.000000e+00 : f32
      %broadcast_in_dim3A_58 = vector.broadcast %broadcast_in_dim3A_57 : f32 to vector<16xf32>
      %reduce_sum3A = arith.constant true
      %reduce_sum3A_59 = vector.broadcast %reduce_sum3A : i1 to vector<16xi1>
      %reduce_sum3A_60 = tpu.scan <sum>, %select_n3A_56 masked %reduce_sum3A_59 : vector<16xf32>, vector<16xi1> -> vector<16xf32>
      %reduce_sum3A_61 = vector.extract %reduce_sum3A_60[15] : f32 from vector<16xf32>
      %add3A = vector.broadcast %reduce_sum3A_61 : f32 to vector<16xf32>
      %add3A_62 = arith.addf %broadcast_in_dim3A_58, %add3A : vector<16xf32>
      %div3A = arith.divf %select_n3A_56, %add3A_62 : vector<16xf32>
      %swap3A_63 = arith.constant 0 : index
      %swap3A_64 = tpu.vector_load %arg6[%swap3A_63] {strides = array<i32>} : memref<16xf32, #tpu.memory_space<vmem>>, vector<16xf32>,
      tpu.vector_store %arg6[%swap3A_63], %div3A {strides = array<i32>} : memref<16xf32, #tpu.memory_space<vmem>>, vector<16xf32>,
      "tpu.region"() ({
        %run_scoped3A = tpu.sem_alloc : memref<!tpu.dma_semaphore, #tpu.memory_space<semaphore_mem>>
        %dma_start3A = arith.constant 0 : i32
        %dma_start3A_65 = tpu.memref_slice %arg3[%arg1, %dma_start3A] : memref<4x16xf32, #tpu.memory_space<hbm>> -> memref<1x16xf32, #tpu.memory_space<hbm>>
        %dma_start3A_66 = tpu.memref_squeeze %dma_start3A_65 : memref<1x16xf32, #tpu.memory_space<hbm>> -> memref<16xf32, #tpu.memory_space<hbm>>
        %dma_start3A_67 = arith.constant 0 : i32
        %dma_start3A_68 = tpu.memref_slice %arg3[%arg1, %dma_start3A_67] : memref<4x16xf32, #tpu.memory_space<hbm>> -> memref<1x16xf32, #tpu.memory_space<hbm>>
        %dma_start3A_69 = tpu.memref_squeeze %dma_start3A_68 : memref<1x16xf32, #tpu.memory_space<hbm>> -> memref<16xf32, #tpu.memory_space<hbm>>
        tpu.enqueue_dma source(%arg6 : memref<16xf32, #tpu.memory_space<vmem>>) target(%dma_start3A_69 : memref<16xf32, #tpu.memory_space<hbm>>) target_semaphore(%run_scoped3A : memref<!tpu.dma_semaphore, #tpu.memory_space<semaphore_mem>>)
        %dma_wait3A = arith.constant 0 : i32
        %dma_wait3A_70 = tpu.memref_slice %arg3[%arg1, %dma_wait3A] : memref<4x16xf32, #tpu.memory_space<hbm>> -> memref<1x16xf32, #tpu.memory_space<hbm>>
        %dma_wait3A_71 = tpu.memref_squeeze %dma_wait3A_70 : memref<1x16xf32, #tpu.memory_space<hbm>> -> memref<16xf32, #tpu.memory_space<hbm>>
        %dma_wait3A_72 = arith.constant 0 : i32
        %dma_wait3A_73 = tpu.memref_slice %arg3[%arg1, %dma_wait3A_72] : memref<4x16xf32, #tpu.memory_space<hbm>> -> memref<1x16xf32, #tpu.memory_space<hbm>>
        %dma_wait3A_74 = tpu.memref_squeeze %dma_wait3A_73 : memref<1x16xf32, #tpu.memory_space<hbm>> -> memref<16xf32, #tpu.memory_space<hbm>>
        tpu.wait_dma2 semaphore(%run_scoped3A : memref<!tpu.dma_semaphore, #tpu.memory_space<semaphore_mem>>) src(%arg6 : memref<16xf32, #tpu.memory_space<vmem>>) dst(%dma_wait3A_74 : memref<16xf32, #tpu.memory_space<hbm>>)
        tpu.yield
      }) : () -> ()
      "tpu.region"() ({
        %run_scoped3A = tpu.sem_alloc : memref<!tpu.dma_semaphore, #tpu.memory_space<semaphore_mem>>
        %dma_start3A = arith.constant 0 : i32
        %dma_start3A_65 = tpu.memref_slice %arg4[%arg1, %dma_start3A] : memref<4x16xf32, #tpu.memory_space<hbm>> -> memref<1x16xf32, #tpu.memory_space<hbm>>
        %dma_start3A_66 = tpu.memref_squeeze %dma_start3A_65 : memref<1x16xf32, #tpu.memory_space<hbm>> -> memref<16xf32, #tpu.memory_space<hbm>>
        %dma_start3A_67 = arith.constant 0 : i32
        %dma_start3A_68 = tpu.memref_slice %arg4[%arg1, %dma_start3A_67] : memref<4x16xf32, #tpu.memory_space<hbm>> -> memref<1x16xf32, #tpu.memory_space<hbm>>
        %dma_start3A_69 = tpu.memref_squeeze %dma_start3A_68 : memref<1x16xf32, #tpu.memory_space<hbm>> -> memref<16xf32, #tpu.memory_space<hbm>>
        tpu.enqueue_dma source(%arg7 : memref<16xf32, #tpu.memory_space<vmem>>) target(%dma_start3A_69 : memref<16xf32, #tpu.memory_space<hbm>>) target_semaphore(%run_scoped3A : memref<!tpu.dma_semaphore, #tpu.memory_space<semaphore_mem>>)
        %dma_wait3A = arith.constant 0 : i32
        %dma_wait3A_70 = tpu.memref_slice %arg4[%arg1, %dma_wait3A] : memref<4x16xf32, #tpu.memory_space<hbm>> -> memref<1x16xf32, #tpu.memory_space<hbm>>
        %dma_wait3A_71 = tpu.memref_squeeze %dma_wait3A_70 : memref<1x16xf32, #tpu.memory_space<hbm>> -> memref<16xf32, #tpu.memory_space<hbm>>
        %dma_wait3A_72 = arith.constant 0 : i32
        %dma_wait3A_73 = tpu.memref_slice %arg4[%arg1, %dma_wait3A_72] : memref<4x16xf32, #tpu.memory_space<hbm>> -> memref<1x16xf32, #tpu.memory_space<hbm>>
        %dma_wait3A_74 = tpu.memref_squeeze %dma_wait3A_73 : memref<1x16xf32, #tpu.memory_space<hbm>> -> memref<16xf32, #tpu.memory_space<hbm>>
        tpu.wait_dma2 semaphore(%run_scoped3A : memref<!tpu.dma_semaphore, #tpu.memory_space<semaphore_mem>>) src(%arg7 : memref<16xf32, #tpu.memory_space<vmem>>) dst(%dma_wait3A_74 : memref<16xf32, #tpu.memory_space<hbm>>)
        tpu.yield
      }) : () -> ()
    } else {
    }
    return
  }
}

module attributes {stable_mosaic.version = 14 : i64} {
  func.func @_logits_body(%arg0: i32, %arg1: i32, %arg2: memref<1x1024x2048xf32, #tpu.memory_space<vmem>>, %arg3: memref<16x1024xf32, #tpu.memory_space<vmem>>, %arg4: memref<16xf32, #tpu.memory_space<vmem>>, %arg5: memref<4x16xf32, #tpu.memory_space<vmem>>) attributes {dimension_semantics = [#tpu.dimension_semantics<arbitrary>, #tpu.dimension_semantics<arbitrary>], iteration_bounds = array<i64: 4, 2>, scalar_prefetch = 0 : i64, scratch_operands = 0 : i64, tpu.core_type = #tpu.core_type<tc>, window_params = [{transform_indices = @transform_0, window_bounds = array<i64: 1, 1024, 2048>}, {transform_indices = @transform_1, window_bounds = array<i64: 16, 1024>}, {pipeline_mode = #tpu.pipeline_mode<synchronous>, transform_indices = @transform_2, window_bounds = array<i64: 16>}, {pipeline_mode = #tpu.pipeline_mode<synchronous>, transform_indices = @transform_3, window_bounds = array<i64: 4, 16>}]} {
    %get3A = arith.constant 0 : index
    %get3A_0 = arith.constant 0 : index
    %get3A_1 = arith.constant 0 : index
    %get3A_2 = vector.load %arg2[%get3A, %get3A_0, %get3A_1] : memref<1x1024x2048xf32, #tpu.memory_space<vmem>>, vector<1x1024x2048xf32>
    %get3A_3 = vector.shape_cast %get3A_2 : vector<1x1024x2048xf32> to vector<1024x2048xf32>
    %reduce_sum3A = arith.constant dense<0.000000e+00> : vector<1024xf32>
    %reduce_sum3A_4 = vector.multi_reduction <add>, %get3A_3, %reduce_sum3A [1] : vector<1024x2048xf32> to vector<1024xf32>
    %mul3A = arith.constant 4.8828125E-4 : f32
    %mul3A_5 = vector.broadcast %mul3A : f32 to vector<1024xf32>
    %mul3A_6 = arith.mulf %reduce_sum3A_4, %mul3A_5 : vector<1024xf32>
    %reduce_max3A = arith.constant dense<0xFF800000> : vector<1024xf32>
    %reduce_max3A_7 = vector.multi_reduction <maximumf>, %get3A_3, %reduce_max3A [1] : vector<1024x2048xf32> to vector<1024xf32>
    %add3A = arith.addf %mul3A_6, %reduce_max3A_7 : vector<1024xf32>
    %broadcast_in_dim3A = vector.shape_cast %add3A : vector<1024xf32> to vector<1x1024xf32>
    %get3A_8 = arith.constant 0 : index
    %get3A_9 = arith.constant 0 : index
    %get3A_10 = vector.load %arg3[%get3A_8, %get3A_9] : memref<16x1024xf32, #tpu.memory_space<vmem>>, vector<16x1024xf32>
    %dot_general3A = arith.constant dense<0.000000e+00> : vector<1x16xf32>
    %dot_general3A_11 = tpu.matmul %broadcast_in_dim3A, %get3A_10, %dot_general3A {dimension_numbers = #tpu.dot_dimension_numbers<[1], [1], [0], [0], [0, 0, 1, 0], [], []>, transpose_lhs_hint = false} : vector<1x1024xf32>, vector<16x1024xf32>, vector<1x16xf32> -> vector<1x16xf32>
    %eq3A = arith.constant 0 : i32
    %eq3A_12 = arith.cmpi eq, %arg1, %eq3A : i32
    %convert_element_type3A = arith.extui %eq3A_12 : i1 to i32
    %cond3A = arith.constant 0 : i32
    %cond3A_13 = arith.cmpi ne, %convert_element_type3A, %cond3A : i32
    scf.if %cond3A_13 {
      %get3A_18 = arith.constant 0 : index
      %get3A_19 = vector.load %arg4[%get3A_18] : memref<16xf32, #tpu.memory_space<vmem>>, vector<16xf32>
      %broadcast_in_dim3A_20 = vector.shape_cast %get3A_19 : vector<16xf32> to vector<1x16xf32>
      %add3A_21 = arith.addf %dot_general3A_11, %broadcast_in_dim3A_20 : vector<1x16xf32>
      %swap3A = arith.index_cast %arg0 : i32 to index
      %swap3A_22 = arith.constant 0 : index
      %swap3A_23 = vector.load %arg5[%swap3A, %swap3A_22] : memref<4x16xf32, #tpu.memory_space<vmem>>, vector<1x16xf32>
      tpu.vector_store %arg5[%swap3A, %swap3A_22], %add3A_21 {strides = array<i32>} : memref<4x16xf32, #tpu.memory_space<vmem>>, vector<1x16xf32>,
    } else {
    }
    %gt3A = arith.constant 0 : i32
    %gt3A_14 = arith.cmpi sgt, %arg1, %gt3A : i32
    %convert_element_type3A_15 = arith.extui %gt3A_14 : i1 to i32
    %cond3A_16 = arith.constant 0 : i32
    %cond3A_17 = arith.cmpi ne, %convert_element_type3A_15, %cond3A_16 : i32
    scf.if %cond3A_17 {
      %get3A_18 = arith.index_cast %arg0 : i32 to index
      %get3A_19 = arith.constant 0 : index
      %get3A_20 = vector.load %arg5[%get3A_18, %get3A_19] : memref<4x16xf32, #tpu.memory_space<vmem>>, vector<1x16xf32>
      %add3A_21 = arith.addf %get3A_20, %dot_general3A_11 : vector<1x16xf32>
      %swap3A = arith.index_cast %arg0 : i32 to index
      %swap3A_22 = arith.constant 0 : index
      %swap3A_23 = vector.load %arg5[%swap3A, %swap3A_22] : memref<4x16xf32, #tpu.memory_space<vmem>>, vector<1x16xf32>
      tpu.vector_store %arg5[%swap3A, %swap3A_22], %add3A_21 {strides = array<i32>} : memref<4x16xf32, #tpu.memory_space<vmem>>, vector<1x16xf32>,
    } else {
    }
    return
  }
  func.func @transform_0(%arg0: i32, %arg1: i32) -> (i32, i32, i32) {
    %c0_i32 = arith.constant 0 : i32
    %c0_i32_0 = arith.constant 0 : i32
    return %arg0, %arg1, %c0_i32 : i32, i32, i32
  }
  func.func @transform_1(%arg0: i32, %arg1: i32) -> (i32, i32) {
    %c0_i32 = arith.constant 0 : i32
    %c0_i32_0 = arith.constant 0 : i32
    return %c0_i32, %arg1 : i32, i32
  }
  func.func @transform_2(%arg0: i32, %arg1: i32) -> i32 {
    %c0_i32 = arith.constant 0 : i32
    %c0_i32_0 = arith.constant 0 : i32
    return %c0_i32 : i32
  }
  func.func @transform_3(%arg0: i32, %arg1: i32) -> (i32, i32) {
    %c0_i32 = arith.constant 0 : i32
    %c0_i32_0 = arith.constant 0 : i32
    %c0_i32_1 = arith.constant 0 : i32
    return %c0_i32, %c0_i32_0 : i32, i32
  }
}

</mosaic_0001>

<sc_bundles>
// kernel: kernel.4.cloned.1.call-start
scs
__scs_entry_jumppad:
0x0: {  	(pc) =	sbr.rel $0x88, $3  }
0x1: {  	(tag) =	ssettag $0x0;
	lr =	simm.s32 $0x1  }
0x2: {  	[smem:$0x3F9E] =	sst lr;
	_ =	strace $0xD0000000  }
0x3: {  	_ = 	snop  }
0x4: {  	_ = 	snop  }
0x5: {  	_ = 	snop  }
0x6: {  	_ = 	snop  }
0x7: {  	_ = 	snop  }
__scs_overlays_trampoline_lowered:
0x8: {  	[smem:$0x3FAD] =	sst s0  }
0x9: {  	[smem:$0x3FAE] =	sst s1  }
0xa: {  	[smem:$0x3FAF] =	sst s2  }
0xb: {  	[smem:$0x3FB0] =	sst s3  }
0xc: {  	[smem:$0x3FB1] =	sst s4  }
0xd: {  	[smem:$0x3FB2] =	sst s5  }
0xe: {  	[smem:$0x3FB3] =	sst s6  }
0xf: {  	[smem:$0x3FB4] =	sst s7  }
0x10: {  	[smem:$0x3FB5] =	sst s8  }
0x11: {  	[smem:$0x3FB6] =	sst s9;
	s0 =	simm.s32 @!p0 $0x0  }
0x12: {  	s1 =	sld [smem:$0x3F9C];
	s0 =	simm.s32 @p0 $0x1  }
0x13: {  	[smem:$0x3FB7] =	sst s0;
	s0 =	simm.s32 @!p1 $0x0  }
0x14: {  	s2 =	sld [smem:$0x3F9B];
	s0 =	simm.s32 @p1 $0x1  }
0x15: {  	[smem:$0x3FB8] =	sst s0;
	s0 =	simm.s32 @!p2 $0x0  }
0x16: {  	s3 =	sld [smem:$0x3FDB];
	s0 =	simm.s32 @p2 $0x1  }
0x17: {  	s4 =	simm.s32 $0x1BF5;
	[smem:$0x3FBA] =	sst s0  }
0x18: {  	s0 =	sld [smem:$0x3F9D];
	_ =	swait.ge [sflag:s4], $0x0  }
0x19: {  	s7 =	sld [smem:$0x3F9E]  }
0x1a: {  	s8 =	sadd.s32 $0xFFFFE003, lr  }
0x1b: {  	s9 =	sadd.s32 $0xFFFFFEF7, lr;
	s5 =	simm.s32 $0xFFFFFFFF;
	p2 =	slt.u32 s8, $0xFFFFF086  }
0x1c: {  	p1 =	slt.u32 s9, $0xF7A;
	s5 =	simm.s32 @!p2 $0x0  }
0x1d: {  	s5 =	simm.s32 @p1 $0x1;
	p0 =	seq.s32 s7, s2  }
0x1e: {  	s7 =	smul.u32 @!p0 $0xF7A, s2;
	p2 =	seq.s32 @!p0 s5, $0x0  }
0x1f: {  	s9 =	smul.u32 $0xF7A, s1;
	s8 =	simm.s32 @!p0 $0x1BF5;
	p2 =	por !p2, p0  }
0x20: {  	[sflag:s8] =	ssyncset.s32 @!p0 $0xFFFFF086;
	s6 =	sadd.s32 @!p0 s3, s7;
	s7 =	simm.s32 @!p0 $0x108  }
0x21: {  	s3 =	sadd.s32 s3, s9;
	s6 =	sadd.s32 @!p0 $0x88, s6;
	s7 =	simm.s32 @p2 $0x1082  }
0x22: {  	[simem:s7], [sflag:s8] =	dma.local @!p0 [hbm:s6], $0xF7A  }
0x23: {  	s9 =	sor.u32 $0xD0000000, s2;
	s6 =	simm.s32 $0x108;
	_ =	swait.ge @!p0 [sflag:s8], $0x0  }
0x24: {  	s3 =	sadd.s32 $0x88, s3;
	s6 =	simm.s32 @!p1 $0x1082;
	[sflag:s4] =	ssyncset.s32 $0xFFFFF086  }
0x25: {  	[simem:s6], [sflag:s4] =	dma.local [hbm:s3], $0xF7A  }
0x26: {  	[smem:$0x3F9E] =	sst s1;
	(tag) =	ssettag s2;
	_ =	strace s9  }
0x27: {  	s1 =	sld [smem:$0x3FAE]  }
0x28: {  	s2 =	sld [smem:$0x3FAF]  }
0x29: {  	s4 =	sld [smem:$0x3FB1]  }
0x2a: {  	p0 =	seq.s32 s5, $0x0;
	s5 =	sld [smem:$0x3FB2]  }
0x2b: {  	s6 =	sld [smem:$0x3FB3]  }
0x2c: {  	s7 =	sld [smem:$0x3FB4]  }
0x2d: {  	s3 =	simm.s32 $0x108;
	s8 =	sld [smem:$0x3FB5]  }
0x2e: {  	s3 =	simm.s32 @!p0 $0x1082;
	s9 =	sld [smem:$0x3FB6]  }
0x2f: {  	lr =	sadd.s32 s0, s3;
	s0 =	sld [smem:$0x3FAD]  }
0x30: {  	s3 =	sld [smem:$0x3FB0]  }
0x31: {  	[smem:$0x3FB9] =	sst s10  }
0x32: {  	s10 =	sld [smem:$0x3FB7];
	_ =	sdelay $0x3  }
0x33: {  	p0 =	seq.s32 s10, $0x1;
	s10 =	sld [smem:$0x3FB9];
	_ =	sdelay $0x3  }
0x34: {  	[smem:$0x3FB9] =	sst s10  }
0x35: {  	s10 =	sld [smem:$0x3FB8];
	_ =	sdelay $0x3  }
0x36: {  	p1 =	seq.s32 s10, $0x1;
	s10 =	sld [smem:$0x3FB9];
	_ =	sdelay $0x3  }
0x37: {  	[smem:$0x3FB9] =	sst s10  }
0x38: {  	s10 =	sld [smem:$0x3FBA]  }
0x39: {  	_ = 	snop;
	(pc) =	sbr.ind lr, $3  }
0x3a: {  	_ = 	snop  }
0x3b: {  	_ = 	snop  }
0x3c: {  	p2 =	seq.s32 s10, $0x1;
	s10 =	sld [smem:$0x3FB9]  }
0x3d: {  	_ =	shalt  }
0x3e: {  	_ =	shalt  }
0x3f: {  	_ =	shalt  }
0x40: {  	_ =	shalt  }
0x41: {  	_ =	shalt  }
0x42: {  	_ =	shalt  }
0x43: {  	_ =	shalt  }
0x44: {  	_ =	shalt  }
0x45: {  	_ =	shalt  }
0x46: {  	_ =	shalt  }
0x47: {  	_ =	shalt  }
0x48: {  	_ =	shalt  }
0x49: {  	_ =	shalt  }
0x4a: {  	_ =	shalt  }
0x4b: {  	_ =	shalt  }
0x4c: {  	_ =	shalt  }
0x4d: {  	_ =	shalt  }
0x4e: {  	_ =	shalt  }
0x4f: {  	_ =	shalt  }
0x50: {  	_ =	shalt  }
0x51: {  	_ =	shalt  }
0x52: {  	_ =	shalt  }
0x53: {  	_ =	shalt  }
0x54: {  	_ =	shalt  }
0x55: {  	_ =	shalt  }
0x56: {  	_ =	shalt  }
0x57: {  	_ =	shalt  }
0x58: {  	_ =	shalt  }
0x59: {  	_ =	shalt  }
0x5a: {  	_ =	shalt  }
0x5b: {  	_ =	shalt  }
0x5c: {  	_ =	shalt  }
0x5d: {  	_ =	shalt  }
0x5e: {  	_ =	shalt  }
0x5f: {  	_ =	shalt  }
0x60: {  	_ =	shalt  }
0x61: {  	_ =	shalt  }
0x62: {  	_ =	shalt  }
0x63: {  	_ =	shalt  }
0x64: {  	_ =	shalt  }
0x65: {  	_ =	shalt  }
0x66: {  	_ =	shalt  }
0x67: {  	_ =	shalt  }
0x68: {  	_ =	shalt  }
0x69: {  	_ =	shalt  }
0x6a: {  	_ =	shalt  }
0x6b: {  	_ =	shalt  }
0x6c: {  	_ =	shalt  }
0x6d: {  	_ =	shalt  }
0x6e: {  	_ =	shalt  }
0x6f: {  	_ =	shalt  }
0x70: {  	_ =	shalt  }
0x71: {  	_ =	shalt  }
0x72: {  	_ =	shalt  }
0x73: {  	_ =	shalt  }
0x74: {  	_ =	shalt  }
0x75: {  	_ =	shalt  }
0x76: {  	_ =	shalt  }
0x77: {  	_ =	shalt  }
0x78: {  	_ =	shalt  }
0x79: {  	_ =	shalt  }
0x7a: {  	_ =	shalt  }
0x7b: {  	_ =	shalt  }
0x7c: {  	_ =	shalt  }
0x7d: {  	_ =	shalt  }
0x7e: {  	_ =	shalt  }
0x7f: {  	_ =	shalt  }
0x80: {  	_ =	shalt  }
0x81: {  	_ =	shalt  }
0x82: {  	_ =	shalt  }
0x83: {  	_ =	shalt  }
0x84: {  	_ =	shalt  }
0x85: {  	_ =	shalt  }
0x86: {  	_ =	shalt  }
0x87: {  	_ =	shalt  }
.Lfunc_end0:
.L_simem_size_0:
called_computation_lowered:
.L_overlay_start_0:
0x88: {  	s2 =	sld [smem:$0x3FD9]  }
0x89: {  	s3 =	sld [smem:$0x3FFE];
	_ =	sdelay $0x1  }
0x8a: {  	s1 =	srdreg.scid  }
0x8b: {  	s0 =	sand.u32 $0x1, s1  }
0x8c: {  	s14 =	sshll.u32 s0, $0xA;
	s2 =	sadd.s32 s3, s2  }
0x8d: {  	s2 =	sadd.s32 s2, s14  }
0x8e: {  	[smem:$0x3FC5] =	sst s2  }
0x8f: {  	_ = 	snop  }
0x90: {  	s2 =	sld [smem:$0x3FD0];
	_ =	sdelay $0x2  }
0x91: {  	s15 =	simm.s32 $0xA;
	s4 =	simm.s32 $0x10  }
0x92: {  	[smem:s4], [sflag:s15] =	dma.local [hbm:s2], $0x1  }
0x93: {  	_ =	swait.eq [sflag:s15], $0x1  }
0x94: {  	[sflag:s15] =	ssyncset.done $0x0  }
0x95: {  	s16 =	sld [smem:$0x10];
	[sflag:s15] =	ssyncadd.s32 $0xFFFFFFFF  }
0x96: {  	s17 =	sld [smem:$0x11];
	(tm) =	ssettm $0x1  }
0x97: {  	s18 =	sld [smem:$0x3FFB];
	_ =	sdelay $0x3  }
0x98: {  	_ =	strace s18  }
0x99: {  	s4 =	sld [smem:$0x3FFC];
	_ =	sdelay $0x3  }
0x9a: {  	_ =	strace s4  }
0x9b: {  	s4 =	sld [smem:$0x3FFD];
	_ =	sdelay $0x3  }
0x9c: {  	_ =	strace s4  }
0x9d: {  	_ =	strace $0x8FFFFFFF  }
0x9e: {  	s19 =	sld [smem:$0x3FDB];
	_ =	sdelay $0x1  }
0x9f: {  	s5 =	simm.s32 $_scs_section_size  }
0xa0: {  	s6 =	simm.s32 $_size__tile_overlayer_lowered;
	s7 =	simm.s32 $_tile_overlayer_lowered  }
0xa1: {  	s22 =	simm.s32 $0x1BFF;
	s21 =	sshll.u32 s7, $0x1;
	s4 =	sadd.s32 s5, s19  }
0xa2: {  	s8 =	simm.s32 $0x0;
	s20 =	sshll.u32 s6, $0x1;
	s6 =	sadd.s32 s21, s4  }
0xa3: {  	[timem:s8], [sflag:s22] =	dma.local [hbm:s6], s20  }
0xa4: {  	_ =	swait.ge [sflag:s22], s20  }
0xa5: {  	s5 =	ssub.s32 $0x0, s20;
	[sflag:s22] =	ssyncset.done $0x0  }
0xa6: {  	[sflag:s22] =	ssyncadd.s32 s5;
	_ =	sdelay $0x1  }
0xa7: {  	s23 =	simm.s32 $0x1B8B  }
0xa8: {  	_ =	swait.ge [sflag:s23], $0x1  }
0xa9: {  	[sflag:s23] =	ssyncset.done $0x0  }
0xaa: {  	s25 =	simm.s32 $0x1B8E;
	s24 =	sld [smem:$0x3FFE];
	[sflag:s23] =	ssyncadd.s32 $0xFFFFFFFF  }
0xab: {  	s26 =	simm.s32 $execute0_lowered;
	[smem:$0x3FD2] =	sst s25  }
0xac: {  	s6 =	sshll.u32 s26, $0x1;
	_ =	strace $0x80000046;
	[dreg:$0x1] =	wrdreg $0xFFFFFFFF  }
0xad: {  	s28 =	simm.s32 $_size_execute0_lowered;
	s4 =	sadd.s32 s4, s6;
	[dreg:$0x0] =	wrdreg $0x0  }
0xae: {  	s6 =	sshll.u32 s28, $0x1;
	[dreg:$0x2] =	wrdreg s4  }
0xaf: {  	[dreg:$0x3] =	wrdreg s6  }
0xb0: {  	[dreg:$0x4] =	wrdreg $0xC0  }
0xb1: {  	_ =	task [dreg:s8], $0x5FFFF  }
0xb2: {  	[dreg:$0x1] =	wrdreg $0xFFFFFFFF  }
0xb3: {  	[dreg:$0x0] =	wrdreg $0x60  }
0xb4: {  	[dreg:$0x2] =	wrdreg s24  }
0xb5: {  	[dreg:$0x3] =	wrdreg s16  }
0xb6: {  	[dreg:$0x4] =	wrdreg s17  }
0xb7: {  	[dreg:$0x5] =	wrdreg $0x9  }
0xb8: {  	_ =	task.clear_ibuf [dreg:s8], $0x6FFFF;
	_ =	strace $0x90000046  }
0xb9: {  	s29 =	simm.s32 $0x9;
	_ =	strace $0x80000048  }
0xba: {  	_ =	swait.ge [sflag:s29], $0x1  }
0xbb: {  	[sflag:s29] =	ssyncadd.s32 $0xFFFFFFFF  }
0xbc: {  	_ =	strace $0x90000048  }
0xbd: {  	_ =	sfence  }
0xbe: {  	s30 =	sld [smem:$0x0];
	_ =	sdelay $0x2  }
0xbf: {  	s31 =	sshll.u32 s1, $0xD;
	s1 =	sshrl.u32 s1, $0x2  }
0xc0: {  	s3 =	sand.u32 $0x4000, s31;
	s1 =	sadd.s32 s1, s30  }
0xc1: {  	s0 =	sor.u32 s3, s0;
	s1 =	sshll.u32 s1, $0x11  }
0xc2: {  	s0 =	sor.u32 s1, s0  }
0xc3: {  	s0 =	sadd.s32 $0x8F2B, s0  }
0xc4: {  	[sflag:s0] =	ssyncadd.remote.s32 $0x1  }
0xc5: {  	_ =	sfence.sel $0xFFFF  }
0xc6: {  	[dreg:$0x0] =	wrdreg $0xFFFFFFFF;
	(pc) =	sbr.abs _section_cstart, $3  }
0xc7: {  	[dreg:$0x1] =	wrdreg $0xFFFFFFFF  }
0xc8: {  	_ =	task.clear_ibuf [dreg:s8], $0x2FFFF;
	_ =	strace $0x9FFFFFFF  }
0xc9: {  	(tm) =	ssettm $0x7FFFFFFF  }
tec
execute0_lowered:
.L_overlay_start_1:
0x0: {  	(tag) =	ssettag $0x1  }
0x1: {  	s0 =	srdreg.scid  }
0x2: {  	s0 =	sand.u32 $0x1, s0  }
0x3: {  	s1 =	stileid.u32;
	p0 =	seq.s32 s0, $0x1  }
0x4: {  	p1 =	sgt.u32 @!p0 s1, $0x3  }
0x5: {  	p0 =	por p0, p1  }
.Ltmp0:
0x6: {  	s5 =	rddreg [dreg:$0x0];
	(pc) =	sbr.rel @p0 .LBB2_2-.Ltmp0, $4  }
0x7: {  	s4 =	rddreg [dreg:$0x1]  }
0x8: {  	s2 =	rddreg [dreg:$0x2];
	s3 =	simm.s32 $0x0  }
0x9: {  	[smem:$0x7FF] =	sst s3  }
0xa: {  	s0 =	rddreg [dreg:$0x3];
	_ =	strace $0x80000047  }
0xb: {  	s5 =	sadd.s32 $0xC00, s5;
	s6 =	sshll.u32 s1, $0x4  }
0xc: {  	s28 =	simm.s32 $0x1;
	s5 =	sadd.s32 s5, s6  }
0xd: {  	[tilespmem:s3], [sflag:$0x1] =	stream.linear.gather [hbm4b:s5+s3], $0x80, $0x38;
	[tilespmem:$0x180] =	vst v63  }
0xe: {  	_ =	swait.ge [sflag:s28], $0x80  }
0xf: {  	[sflag:s28] =	ssyncset.done $0x0  }
0x10: {  	[sflag:s28] =	ssyncadd.s32 $0xFFFFFF80  }
0x11: {  	v0 =	vld [tilespmem:$0x0];
	_ =	sdelay $0x4  }
0x12: {  	v1 =	vmul.f32 $2.000000030e-01, v0  }
0x13: {  	vm0 =	vge.f32 v0, $0.0e+00  }
0x14: {  	v0 =	vsel vm0, v0, v1  }
0x15: {  	(xrf0) =	vmax.scan.msk.f32 $0xffff, v0;
	_ =	sdelay $0x5  }
0x16: {  	v57, _, _ =	vpop (xrf0)  }
0x17: {  	v1 =	vbroadcast v57, $0xF  }
0x18: {  	v2 =	vlaneseq.u32  }
0x19: {  	v3 =	vor.u32 $0x80000000, v2;
	vm0 =	veq.f32 v0, v1  }
0x1a: {  	v4 =	vnsel vm0, $0x80000010, v3  }
0x1b: {  	(xrf0) =	vmin.scan.msk.u32 $0xffff, v4;
	_ =	sdelay $0x5  }
0x1c: {  	v4, _, _ =	vpop (xrf0)  }
0x1d: {  	(v2sf) =	vpush v4, $0xF;
	_ =	sdelay $0xe  }
0x1e: {  	s7 =	spop (v2sf)  }
0x1f: {  	s7 =	sxor.u32 $0x80000000, s7  }
0x20: {  	v58 =	vmov s7  }
0x21: {  	vm14 =	veq.s32 v58, v2  }
0x22: {  	v4 =	vsel vm14, $0xFF800000, v0  }
0x23: {  	(xrf0) =	vmax.scan.msk.f32 $0xffff, v4;
	_ =	sdelay $0x5  }
0x24: {  	v5, _, _ =	vpop (xrf0)  }
0x25: {  	v5 =	vbroadcast v5, $0xF;
	_ =	sdelay $0x1  }
0x26: {  	vm1 =	veq.f32 v4, v5  }
0x27: {  	v3 =	vnsel vm1, $0x80000010, v3  }
0x28: {  	(xrf0) =	vmin.scan.msk.u32 $0xffff, v3;
	_ =	sdelay $0x5  }
0x29: {  	v3, _, _ =	vpop (xrf0)  }
0x2a: {  	(v2sf) =	vpush v3, $0xF;
	_ =	sdelay $0x5  }
0x2b: {  	v0 =	vsub.f32 v0, v1;
	_ =	sdelay $0x1  }
0x2c: {  	v0 =	vmul.f32 $1.442695020e+00, v0;
	_ =	sdelay $0x1  }
0x2d: {  	(erf) = vpow2.f32 v0;
	_ =	sdelay $0x4  }
0x2e: {  	s29 =	spop (v2sf)  }
0x2f: {  	s7 =	sxor.u32 $0x80000000, s29  }
0x30: {  	v59 =	vmov s7  }
0x31: {  	vm15 =	veq.s32 v59, v2  }
0x32: {  	v60 =	vpop (erf);
	vm0 =	vmor vm14, vm15  }
0x33: {  	v0 =	vnsel vm0, $0x0, v60  }
0x34: {  	(xrf2) =	vadd.scan.msk.f32 $0xffff, v0;
	_ =	sdelay $0x9  }
0x35: {  	v61, _, _ =	vpop (xrf2)  }
0x36: {  	v1 =	vadd.f32 $0.0e+00, v61;
	_ =	sdelay $0x1  }
0x37: {  	v1 =	vbroadcast v1, $0xF;
	_ =	sdelay $0x1  }
0x38: {  	(erf) = vrcp.f32 v1;
	_ =	sdelay $0x8  }
0x39: {  	v62 =	vimm.f32 $0.0e+00;
	v63 =	vpop (erf)  }
0x3a: {  	v1 =	vsel vm0, $0x3F800000, v62;
	v0 =	vmul.f32 v63, v0  }
0x3b: {  	[tilespmem:$0x100] =	vst v1  }
0x3c: {  	s30 =	simm.s32 $0x80;
	s4 =	sadd.s32 s4, s6;
	[tilespmem:$0x80] =	vst v0  }
0x3d: {  	[hbm4b:s4+s3] =	stream.linear.scatter [tilespmem:s30], [sflag:$0x1], $0x80, $0x38;
	[tilespmem:$0x180] =	vst v63  }
0x3e: {  	_ =	swait.ge [sflag:s28], $0x80  }
0x3f: {  	[sflag:s28] =	ssyncset.done $0x0  }
0x40: {  	s31 =	simm.s32 $0x100;
	s2 =	sadd.s32 s2, s6;
	[sflag:s28] =	ssyncadd.s32 $0xFFFFFF80  }
0x41: {  	[hbm4b:s2+s3] =	stream.linear.scatter [tilespmem:s31], [sflag:$0x1], $0x80, $0x38;
	[tilespmem:$0x180] =	vst v63  }
0x42: {  	_ =	swait.ge [sflag:s28], $0x80  }
0x43: {  	[sflag:s28] =	ssyncset.done $0x0  }
0x44: {  	[sflag:s28] =	ssyncadd.s32 $0xFFFFFF80  }
.LBB2_2:
0x45: {  	_ =	sfence.sel $0x180000  }
0x46: {  	[bflag:$0x0] =	sbarrier.arrive $0xFFFF  }
0x47: {  	p0 =	sne.s32 s1, $0x0;
	_ =	strace $0x90000047  }
0x48: {  	s0 =	sadd.s32 @!p0 $0x100000, s0;
	[bflag:$0x2] =	sbarrier.arrive $0xFFFF  }
0x49: {  	[sflag:s0] =	ssyncadd.tile.s32 @!p0 $0x1;
	_ =	shalt  }
.Lfunc_end2:
_tile_overlayer_lowered:
.L_overlay_start_2:
0x4a: {  	(tag) =	ssettag $0x2  }
0x4b: {  	s0 =	rddreg [dreg:$0x0];
	s2 =	stileid.u32  }
0x4c: {  	s1 =	rddreg [dreg:$0x1];
	p0 =	sne.s32 s2, $0x0  }
0x4d: {  	s3 =	rddreg [dreg:$0x2];
	[bflag:$0x3] =	sbarrier.arrive $0xFFFF;
	s2 =	simm.s32 @!p0 $0x1C01  }
0x4e: {  	[timem:s3], [sflag:s2] =	dma.local @!p0 [hbm:s0], s1  }
0x4f: {  	s0 =	simm.s32 @!p0 $0x1  }
0x50: {  	_ =	swait.ge @!p0 [sflag:s0], s1  }
0x51: {  	s1 =	ssub.s32 @!p0 $0x0, s1;
	[sflag:s0] =	ssyncset.done @!p0 $0x0  }
0x52: {  	[sflag:s0] =	ssyncadd.s32 @!p0 s1  }
0x53: {  	[bflag:$0x3] =	sbarrier.arrive $0xFFFF  }
0x54: {  	_ =	shalt  }

</sc_bundles>
